<compile_context>
chip_gen: v7x
topology: tpu7x:2x2x1
jax: 0.10.2.dev20260603
libtpu: 0.0.44.dev20260713+nightly
codegen_flags: <defaults>
</compile_context>

<pallas_src>
import functools

import jax
import jax.numpy as jnp
from jax import lax
from jax.experimental import pallas as pl
from jax.experimental.pallas import tpu as pltpu
from jax.experimental.pallas import tpu_sc as plsc

B = 16384
V = 1000000
D = 64
NBASIS = 16

NC = 2
NS = 16
NW = NC * NS
BPW = B // NW
NCHUNK = 4
CHUNK = BPW // NCHUNK

BBLK = 2048
GRID = B // BBLK

RB = 4096
RPACK = 503808
OPACK = 499712
TGRID = RPACK // RB
OFFB = OPACK // RB


def _tp_body(a_ref, b_ref, eye_ref, out_ref):
    out_ref[:, :D] = a_ref[...].T
    out_ref[:, D:] = lax.dot_general(
        b_ref[...], eye_ref[...], (((0,), (0,)), ((), ())),
        preferred_element_type=jnp.float32)


def _tc_transpose(emb_t):
    eye = jnp.eye(D, dtype=jnp.float32)
    return pl.pallas_call(
        _tp_body,
        grid=(TGRID,),
        in_specs=[
            pl.BlockSpec((D, RB), lambda i: (0, i)),
            pl.BlockSpec((D, RB), lambda i: (0, i + OFFB)),
            pl.BlockSpec((D, D), lambda i: (0, 0)),
        ],
        out_specs=pl.BlockSpec((RB, 2 * D), lambda i: (i, 0)),
        out_shape=jax.ShapeDtypeStruct((RPACK, 2 * D), jnp.float32),
    )(emb_t, emb_t, eye)


def _sc_gather(half3, tok3, emb2, lin_flat):
    mesh = plsc.VectorSubcoreMesh(core_axis_name="c", subcore_axis_name="s")

    @functools.partial(
        pl.kernel,
        mesh=mesh,
        out_type=[
            jax.ShapeDtypeStruct((B, 2 * D), jnp.float32),
            jax.ShapeDtypeStruct((B,), jnp.float32),
        ],
        scratch_types=[
            pltpu.VMEM((NCHUNK, CHUNK), jnp.int32),
            pltpu.VMEM((NCHUNK, CHUNK), jnp.int32),
            pltpu.VMEM((BPW, 2 * D), jnp.float32),
            pltpu.VMEM((BPW,), jnp.float32),
            pltpu.SemaphoreType.DMA,
            pltpu.SemaphoreType.DMA,
        ],
        compiler_params=pltpu.CompilerParams(use_tc_tiling_on_sc=True),
    )
    def k(half_hbm, tok_hbm, emb_hbm, lin_hbm, demb_hbm, dlin_hbm,
          hidx_v, tidx_v, rows_v, lin_v, sem_e, sem_l):
        wid = lax.axis_index("s") * NC + lax.axis_index("c")
        base = wid * BPW
        pltpu.sync_copy(half_hbm.at[wid], hidx_v)
        pltpu.sync_copy(tok_hbm.at[wid], tidx_v)
        copies = []
        for j in range(NCHUNK):
            copies.append(
                pltpu.async_copy(
                    emb_hbm.at[hidx_v.at[j]],
                    rows_v.at[pl.ds(j * CHUNK, CHUNK)],
                    sem_e,
                )
            )
            copies.append(
                pltpu.async_copy(
                    lin_hbm.at[tidx_v.at[j]],
                    lin_v.at[pl.ds(j * CHUNK, CHUNK)],
                    sem_l,
                )
            )
        for c in copies:
            c.wait()
        pltpu.sync_copy(rows_v, demb_hbm.at[pl.ds(base, BPW)])
        pltpu.sync_copy(lin_v, dlin_hbm.at[pl.ds(base, BPW)])

    return k(half3, tok3, emb2, lin_flat)


def _tc_body(basis_ref, bt_ref, be_ref, bl_ref, mcol_ref, pcol_ref, mlane_ref,
             dlin_ref, demb_ref, emb_out, lin_out):
    cont = jnp.dot(basis_ref[...], be_ref[...], preferred_element_type=jnp.float32)
    d2 = demb_ref[...]
    pupper = pcol_ref[...] > 0.0
    disc = jnp.where(pupper, d2[:, D:], d2[:, :D])
    mrow = mcol_ref[...] > 0.0
    emb_out[...] = jnp.where(mrow, cont, disc)
    cont_lin = jnp.sum(bt_ref[...] * bl_ref[...], axis=0)
    mlane = mlane_ref[0, 0, :] > 0.0
    lin_out[0, 0, :] = jnp.where(mlane, cont_lin, dlin_ref[0, 0, :])


def _tc_combine(basis, basis_t, be, bl2, mask_col, par_col, mask_lane, dlin3, demb2):
    return pl.pallas_call(
        _tc_body,
        grid=(GRID,),
        in_specs=[
            pl.BlockSpec((BBLK, NBASIS), lambda i: (i, 0)),
            pl.BlockSpec((NBASIS, BBLK), lambda i: (0, i)),
            pl.BlockSpec((NBASIS, D), lambda i: (0, 0)),
            pl.BlockSpec((NBASIS, 1), lambda i: (0, 0)),
            pl.BlockSpec((BBLK, 1), lambda i: (i, 0)),
            pl.BlockSpec((BBLK, 1), lambda i: (i, 0)),
            pl.BlockSpec((1, 1, BBLK), lambda i: (i, 0, 0)),
            pl.BlockSpec((1, 1, BBLK), lambda i: (i, 0, 0)),
            pl.BlockSpec((BBLK, 2 * D), lambda i: (i, 0)),
        ],
        out_specs=[
            pl.BlockSpec((BBLK, D), lambda i: (i, 0)),
            pl.BlockSpec((1, 1, BBLK), lambda i: (i, 0, 0)),
        ],
        out_shape=[
            jax.ShapeDtypeStruct((B, D), jnp.float32),
            jax.ShapeDtypeStruct((GRID, 1, BBLK), jnp.float32),
        ],
    )(basis, basis_t, be, bl2, mask_col, par_col, mask_lane, dlin3, demb2)


def kernel(token_ids, positive_mask, basis, emb_table, lin_table, basis_embedding, basis_linear):
    tok = token_ids.astype(jnp.int32)
    upper = tok >= OPACK
    half = jnp.where(upper, tok - OPACK, tok)
    tok3 = tok.reshape(NW, NCHUNK, CHUNK)
    half3 = half.reshape(NW, NCHUNK, CHUNK)
    emb2 = _tc_transpose(emb_table.T)
    lin_flat = lin_table.reshape(V)
    demb2, dlin = _sc_gather(half3, tok3, emb2, lin_flat)

    maskf = positive_mask.astype(jnp.float32)
    mask_col = maskf.reshape(B, 1)
    mask_lane = maskf.reshape(GRID, 1, BBLK)
    par_col = upper.astype(jnp.float32).reshape(B, 1)
    dlin3 = dlin.reshape(GRID, 1, BBLK)
    basis_t = basis.T
    bl2 = basis_linear.reshape(NBASIS, 1)

    emb, lin3 = _tc_combine(basis, basis_t, basis_embedding, bl2,
                            mask_col, par_col, mask_lane, dlin3, demb2)
    return emb, lin3.reshape(B)

# --- scband reference (transcript-rebuilt; emitter-appended) ---
"""Pipeline reference for scband-slinteger-field-module-89507118449316 (READ-ONLY COPY).

The authoritative reference and input builder live on the scoring server;
editing this copy changes nothing except your own understanding.
"""

import jax, jax.numpy as jnp
import numpy as np

B = 16384
V = 1000000
D = 64
NB = 16
INIT_SCALE = 0.02


def setup_inputs(seed: int = 0) -> dict:
    key = jax.random.key(seed)
    k1, k2, k3, k4, k5 = jax.random.split(key, 5)
    token_ids = jax.random.randint(k1, (B,), 0, V)
    positive_mask = jax.random.randint(k2, (B,), 0, 2).astype(bool)
    basis = jax.random.normal(k3, (B, NB), dtype=jnp.float32)
    # learned parameters per init_kwargs
    emb_table = jax.random.normal(k4, (V, D), dtype=jnp.float32) * INIT_SCALE
    lin_table = jnp.zeros((V, 1), dtype=jnp.float32)
    basis_embedding = jax.random.normal(k5, (NB, D), dtype=jnp.float32) * INIT_SCALE
    basis_linear = jnp.zeros((NB,), dtype=jnp.float32)
    return {
        "token_ids": token_ids,
        "positive_mask": positive_mask,
        "basis": basis,
        "emb_table": emb_table,
        "lin_table": lin_table,
        "basis_embedding": basis_embedding,
        "basis_linear": basis_linear,
    }


def reference(token_ids, positive_mask, basis, emb_table, lin_table, basis_embedding, basis_linear):
    # DiscreteFieldModule: two embedding lookups (gather)
    disc_emb = jnp.take(emb_table, token_ids, axis=0)            # [B, D]
    disc_lin = jnp.take(lin_table, token_ids, axis=0)[:, 0]     # [B]
    # continuous (basis) path
    cont_emb = basis @ basis_embedding                            # [B, D]
    cont_lin = basis @ basis_linear                               # [B]
    mask = positive_mask[:, None]
    emb = jnp.where(mask, cont_emb, disc_emb)
    lin = jnp.where(positive_mask, cont_lin, disc_lin)
    return (emb, lin)

if __name__ == "__main__":
    import jax
    _d = setup_inputs()
    print(jax.jit(kernel)(*tuple(_d.values())))

</pallas_src>

<mosaic_0001>
#map = affine_map<(d0, d1) -> (0, 0, 0)>
#map1 = affine_map<(d0, d1) -> (0, 0)>
#map2 = affine_map<(d0, d1) -> (0)>
module attributes {stable_mosaic.version = 14 : i64} {
  func.func @k(%arg0: i32, %arg1: i32, %arg2: memref<32x4x128xi32, #tpu.memory_space<hbm>>, %arg3: memref<32x4x128xi32, #tpu.memory_space<hbm>>, %arg4: memref<503808x128xf32, #tpu.memory_space<hbm>>, %arg5: memref<1000000xf32, #tpu.memory_space<hbm>>, %arg6: memref<16384x128xf32, #tpu.memory_space<hbm>>, %arg7: memref<16384xf32, #tpu.memory_space<hbm>>, %arg8: memref<4x128xi32, #tpu.memory_space<vmem>>, %arg9: memref<4x128xi32, #tpu.memory_space<vmem>>, %arg10: memref<512x128xf32, #tpu.memory_space<vmem>>, %arg11: memref<512xf32, #tpu.memory_space<vmem>>, %arg12: memref<!tpu.dma_semaphore, #tpu.memory_space<semaphore_mem>>, %arg13: memref<!tpu.dma_semaphore, #tpu.memory_space<semaphore_mem>>) attributes {dimension_semantics = [#tpu.dimension_semantics<core_parallel>, #tpu.dimension_semantics<subcore_parallel>], iteration_bounds = array<i64: 2, 16>, scalar_prefetch = 0 : i64, scratch_operands = 6 : i64, tpu.core_type = #tpu.core_type<sc_vector_subcore>, window_params = [{transform_indices = #map}, {transform_indices = #map}, {transform_indices = #map1}, {transform_indices = #map2}, {transform_indices = #map1}, {transform_indices = #map2}]} {
    %mul3A = arith.constant 2 : i32
    %mul3A_0 = arith.muli %arg1, %mul3A : i32
    %add3A = arith.addi %mul3A_0, %arg0 : i32
    %mul3A_1 = arith.constant 512 : i32
    %mul3A_2 = arith.muli %add3A, %mul3A_1 : i32
    "tpu.region"() ({
      %run_scoped3A = tpu.sem_alloc : memref<!tpu.dma_semaphore, #tpu.memory_space<semaphore_mem>>
      %dma_start3A_145 = arith.constant 0 : i32
      %dma_start3A_146 = arith.constant 0 : i32
      %dma_start3A_147 = tpu.memref_slice %arg2[%add3A, %dma_start3A_145, %dma_start3A_146] : memref<32x4x128xi32, #tpu.memory_space<hbm>> -> memref<1x4x128xi32, #tpu.memory_space<hbm>>
      %dma_start3A_148 = tpu.memref_squeeze %dma_start3A_147 : memref<1x4x128xi32, #tpu.memory_space<hbm>> -> memref<4x128xi32, #tpu.memory_space<hbm>>
      %dma_start3A_149 = arith.constant 0 : i32
      %dma_start3A_150 = arith.constant 0 : i32
      %dma_start3A_151 = tpu.memref_slice %arg2[%add3A, %dma_start3A_149, %dma_start3A_150] : memref<32x4x128xi32, #tpu.memory_space<hbm>> -> memref<1x4x128xi32, #tpu.memory_space<hbm>>
      %dma_start3A_152 = tpu.memref_squeeze %dma_start3A_151 : memref<1x4x128xi32, #tpu.memory_space<hbm>> -> memref<4x128xi32, #tpu.memory_space<hbm>>
      tpu.enqueue_dma source(%dma_start3A_152 : memref<4x128xi32, #tpu.memory_space<hbm>>) target(%arg8 : memref<4x128xi32, #tpu.memory_space<vmem>>) target_semaphore(%run_scoped3A : memref<!tpu.dma_semaphore, #tpu.memory_space<semaphore_mem>>)
      %dma_wait3A_153 = arith.constant 0 : i32
      %dma_wait3A_154 = arith.constant 0 : i32
      %dma_wait3A_155 = tpu.memref_slice %arg2[%add3A, %dma_wait3A_153, %dma_wait3A_154] : memref<32x4x128xi32, #tpu.memory_space<hbm>> -> memref<1x4x128xi32, #tpu.memory_space<hbm>>
      %dma_wait3A_156 = tpu.memref_squeeze %dma_wait3A_155 : memref<1x4x128xi32, #tpu.memory_space<hbm>> -> memref<4x128xi32, #tpu.memory_space<hbm>>
      %dma_wait3A_157 = arith.constant 0 : i32
      %dma_wait3A_158 = arith.constant 0 : i32
      %dma_wait3A_159 = tpu.memref_slice %arg2[%add3A, %dma_wait3A_157, %dma_wait3A_158] : memref<32x4x128xi32, #tpu.memory_space<hbm>> -> memref<1x4x128xi32, #tpu.memory_space<hbm>>
      %dma_wait3A_160 = tpu.memref_squeeze %dma_wait3A_159 : memref<1x4x128xi32, #tpu.memory_space<hbm>> -> memref<4x128xi32, #tpu.memory_space<hbm>>
      tpu.wait_dma2 semaphore(%run_scoped3A : memref<!tpu.dma_semaphore, #tpu.memory_space<semaphore_mem>>) src(%dma_wait3A_160 : memref<4x128xi32, #tpu.memory_space<hbm>>) dst(%arg8 : memref<4x128xi32, #tpu.memory_space<vmem>>)
      tpu.yield
    }) : () -> ()
    "tpu.region"() ({
      %run_scoped3A = tpu.sem_alloc : memref<!tpu.dma_semaphore, #tpu.memory_space<semaphore_mem>>
      %dma_start3A_145 = arith.constant 0 : i32
      %dma_start3A_146 = arith.constant 0 : i32
      %dma_start3A_147 = tpu.memref_slice %arg3[%add3A, %dma_start3A_145, %dma_start3A_146] : memref<32x4x128xi32, #tpu.memory_space<hbm>> -> memref<1x4x128xi32, #tpu.memory_space<hbm>>
      %dma_start3A_148 = tpu.memref_squeeze %dma_start3A_147 : memref<1x4x128xi32, #tpu.memory_space<hbm>> -> memref<4x128xi32, #tpu.memory_space<hbm>>
      %dma_start3A_149 = arith.constant 0 : i32
      %dma_start3A_150 = arith.constant 0 : i32
      %dma_start3A_151 = tpu.memref_slice %arg3[%add3A, %dma_start3A_149, %dma_start3A_150] : memref<32x4x128xi32, #tpu.memory_space<hbm>> -> memref<1x4x128xi32, #tpu.memory_space<hbm>>
      %dma_start3A_152 = tpu.memref_squeeze %dma_start3A_151 : memref<1x4x128xi32, #tpu.memory_space<hbm>> -> memref<4x128xi32, #tpu.memory_space<hbm>>
      tpu.enqueue_dma source(%dma_start3A_152 : memref<4x128xi32, #tpu.memory_space<hbm>>) target(%arg9 : memref<4x128xi32, #tpu.memory_space<vmem>>) target_semaphore(%run_scoped3A : memref<!tpu.dma_semaphore, #tpu.memory_space<semaphore_mem>>)
      %dma_wait3A_153 = arith.constant 0 : i32
      %dma_wait3A_154 = arith.constant 0 : i32
      %dma_wait3A_155 = tpu.memref_slice %arg3[%add3A, %dma_wait3A_153, %dma_wait3A_154] : memref<32x4x128xi32, #tpu.memory_space<hbm>> -> memref<1x4x128xi32, #tpu.memory_space<hbm>>
      %dma_wait3A_156 = tpu.memref_squeeze %dma_wait3A_155 : memref<1x4x128xi32, #tpu.memory_space<hbm>> -> memref<4x128xi32, #tpu.memory_space<hbm>>
      %dma_wait3A_157 = arith.constant 0 : i32
      %dma_wait3A_158 = arith.constant 0 : i32
      %dma_wait3A_159 = tpu.memref_slice %arg3[%add3A, %dma_wait3A_157, %dma_wait3A_158] : memref<32x4x128xi32, #tpu.memory_space<hbm>> -> memref<1x4x128xi32, #tpu.memory_space<hbm>>
      %dma_wait3A_160 = tpu.memref_squeeze %dma_wait3A_159 : memref<1x4x128xi32, #tpu.memory_space<hbm>> -> memref<4x128xi32, #tpu.memory_space<hbm>>
      tpu.wait_dma2 semaphore(%run_scoped3A : memref<!tpu.dma_semaphore, #tpu.memory_space<semaphore_mem>>) src(%dma_wait3A_160 : memref<4x128xi32, #tpu.memory_space<hbm>>) dst(%arg9 : memref<4x128xi32, #tpu.memory_space<vmem>>)
      tpu.yield
    }) : () -> ()
    %dma_start3A = arith.constant 0 : i32
    %dma_start3A_3 = arith.constant 0 : i32
    %dma_start3A_4 = arith.constant 0 : i32
    %dma_start3A_5 = tpu.memref_slice %arg10[%dma_start3A_3, %dma_start3A_4] : memref<512x128xf32, #tpu.memory_space<vmem>> -> memref<128x128xf32, #tpu.memory_space<vmem>>
    %dma_start3A_6 = arith.constant 0 : i32
    %dma_start3A_7 = tpu.memref_slice %arg8[%dma_start3A, %dma_start3A_6] : memref<4x128xi32, #tpu.memory_space<vmem>> -> memref<1x128xi32, #tpu.memory_space<vmem>>
    %dma_start3A_8 = tpu.memref_squeeze %dma_start3A_7 : memref<1x128xi32, #tpu.memory_space<vmem>> -> memref<128xi32, #tpu.memory_space<vmem>>
    %dma_start3A_9 = arith.constant 0 : i32
    %dma_start3A_10 = arith.constant 0 : i32
    %dma_start3A_11 = tpu.memref_slice %arg4[%dma_start3A_9, %dma_start3A_10] : memref<503808x128xf32, #tpu.memory_space<hbm>> -> memref<503808x128xf32, #tpu.memory_space<hbm>>
    tpu.enqueue_indirect_dma source(%dma_start3A_11 : memref<503808x128xf32, #tpu.memory_space<hbm>>) target(%dma_start3A_5 : memref<128x128xf32, #tpu.memory_space<vmem>>) offsets(%dma_start3A_8 : memref<128xi32, #tpu.memory_space<vmem>>) semaphore(%arg12 : memref<!tpu.dma_semaphore, #tpu.memory_space<semaphore_mem>>)
    %dma_start3A_12 = arith.constant 0 : i32
    %dma_start3A_13 = arith.constant 0 : i32
    %dma_start3A_14 = tpu.memref_slice %arg11[%dma_start3A_13] : memref<512xf32, #tpu.memory_space<vmem>> -> memref<128xf32, #tpu.memory_space<vmem>>
    %dma_start3A_15 = arith.constant 0 : i32
    %dma_start3A_16 = tpu.memref_slice %arg9[%dma_start3A_12, %dma_start3A_15] : memref<4x128xi32, #tpu.memory_space<vmem>> -> memref<1x128xi32, #tpu.memory_space<vmem>>
    %dma_start3A_17 = tpu.memref_squeeze %dma_start3A_16 : memref<1x128xi32, #tpu.memory_space<vmem>> -> memref<128xi32, #tpu.memory_space<vmem>>
    %dma_start3A_18 = arith.constant 0 : i32
    %dma_start3A_19 = tpu.memref_slice %arg5[%dma_start3A_18] : memref<1000000xf32, #tpu.memory_space<hbm>> -> memref<1000000xf32, #tpu.memory_space<hbm>>
    tpu.enqueue_indirect_dma source(%dma_start3A_19 : memref<1000000xf32, #tpu.memory_space<hbm>>) target(%dma_start3A_14 : memref<128xf32, #tpu.memory_space<vmem>>) offsets(%dma_start3A_17 : memref<128xi32, #tpu.memory_space<vmem>>) semaphore(%arg13 : memref<!tpu.dma_semaphore, #tpu.memory_space<semaphore_mem>>)
    %dma_start3A_20 = arith.constant 1 : i32
    %dma_start3A_21 = arith.constant 128 : i32
    %dma_start3A_22 = arith.constant 0 : i32
    %dma_start3A_23 = tpu.memref_slice %arg10[%dma_start3A_21, %dma_start3A_22] : memref<512x128xf32, #tpu.memory_space<vmem>> -> memref<128x128xf32, #tpu.memory_space<vmem>>
    %dma_start3A_24 = arith.constant 0 : i32
    %dma_start3A_25 = tpu.memref_slice %arg8[%dma_start3A_20, %dma_start3A_24] : memref<4x128xi32, #tpu.memory_space<vmem>> -> memref<1x128xi32, #tpu.memory_space<vmem>>
    %dma_start3A_26 = tpu.memref_squeeze %dma_start3A_25 : memref<1x128xi32, #tpu.memory_space<vmem>> -> memref<128xi32, #tpu.memory_space<vmem>>
    %dma_start3A_27 = arith.constant 0 : i32
    %dma_start3A_28 = arith.constant 0 : i32
    %dma_start3A_29 = tpu.memref_slice %arg4[%dma_start3A_27, %dma_start3A_28] : memref<503808x128xf32, #tpu.memory_space<hbm>> -> memref<503808x128xf32, #tpu.memory_space<hbm>>
    tpu.enqueue_indirect_dma source(%dma_start3A_29 : memref<503808x128xf32, #tpu.memory_space<hbm>>) target(%dma_start3A_23 : memref<128x128xf32, #tpu.memory_space<vmem>>) offsets(%dma_start3A_26 : memref<128xi32, #tpu.memory_space<vmem>>) semaphore(%arg12 : memref<!tpu.dma_semaphore, #tpu.memory_space<semaphore_mem>>)
    %dma_start3A_30 = arith.constant 1 : i32
    %dma_start3A_31 = arith.constant 128 : i32
    %dma_start3A_32 = tpu.memref_slice %arg11[%dma_start3A_31] : memref<512xf32, #tpu.memory_space<vmem>> -> memref<128xf32, #tpu.memory_space<vmem>>
    %dma_start3A_33 = arith.constant 0 : i32
    %dma_start3A_34 = tpu.memref_slice %arg9[%dma_start3A_30, %dma_start3A_33] : memref<4x128xi32, #tpu.memory_space<vmem>> -> memref<1x128xi32, #tpu.memory_space<vmem>>
    %dma_start3A_35 = tpu.memref_squeeze %dma_start3A_34 : memref<1x128xi32, #tpu.memory_space<vmem>> -> memref<128xi32, #tpu.memory_space<vmem>>
    %dma_start3A_36 = arith.constant 0 : i32
    %dma_start3A_37 = tpu.memref_slice %arg5[%dma_start3A_36] : memref<1000000xf32, #tpu.memory_space<hbm>> -> memref<1000000xf32, #tpu.memory_space<hbm>>
    tpu.enqueue_indirect_dma source(%dma_start3A_37 : memref<1000000xf32, #tpu.memory_space<hbm>>) target(%dma_start3A_32 : memref<128xf32, #tpu.memory_space<vmem>>) offsets(%dma_start3A_35 : memref<128xi32, #tpu.memory_space<vmem>>) semaphore(%arg13 : memref<!tpu.dma_semaphore, #tpu.memory_space<semaphore_mem>>)
    %dma_start3A_38 = arith.constant 2 : i32
    %dma_start3A_39 = arith.constant 256 : i32
    %dma_start3A_40 = arith.constant 0 : i32
    %dma_start3A_41 = tpu.memref_slice %arg10[%dma_start3A_39, %dma_start3A_40] : memref<512x128xf32, #tpu.memory_space<vmem>> -> memref<128x128xf32, #tpu.memory_space<vmem>>
    %dma_start3A_42 = arith.constant 0 : i32
    %dma_start3A_43 = tpu.memref_slice %arg8[%dma_start3A_38, %dma_start3A_42] : memref<4x128xi32, #tpu.memory_space<vmem>> -> memref<1x128xi32, #tpu.memory_space<vmem>>
    %dma_start3A_44 = tpu.memref_squeeze %dma_start3A_43 : memref<1x128xi32, #tpu.memory_space<vmem>> -> memref<128xi32, #tpu.memory_space<vmem>>
    %dma_start3A_45 = arith.constant 0 : i32
    %dma_start3A_46 = arith.constant 0 : i32
    %dma_start3A_47 = tpu.memref_slice %arg4[%dma_start3A_45, %dma_start3A_46] : memref<503808x128xf32, #tpu.memory_space<hbm>> -> memref<503808x128xf32, #tpu.memory_space<hbm>>
    tpu.enqueue_indirect_dma source(%dma_start3A_47 : memref<503808x128xf32, #tpu.memory_space<hbm>>) target(%dma_start3A_41 : memref<128x128xf32, #tpu.memory_space<vmem>>) offsets(%dma_start3A_44 : memref<128xi32, #tpu.memory_space<vmem>>) semaphore(%arg12 : memref<!tpu.dma_semaphore, #tpu.memory_space<semaphore_mem>>)
    %dma_start3A_48 = arith.constant 2 : i32
    %dma_start3A_49 = arith.constant 256 : i32
    %dma_start3A_50 = tpu.memref_slice %arg11[%dma_start3A_49] : memref<512xf32, #tpu.memory_space<vmem>> -> memref<128xf32, #tpu.memory_space<vmem>>
    %dma_start3A_51 = arith.constant 0 : i32
    %dma_start3A_52 = tpu.memref_slice %arg9[%dma_start3A_48, %dma_start3A_51] : memref<4x128xi32, #tpu.memory_space<vmem>> -> memref<1x128xi32, #tpu.memory_space<vmem>>
    %dma_start3A_53 = tpu.memref_squeeze %dma_start3A_52 : memref<1x128xi32, #tpu.memory_space<vmem>> -> memref<128xi32, #tpu.memory_space<vmem>>
    %dma_start3A_54 = arith.constant 0 : i32
    %dma_start3A_55 = tpu.memref_slice %arg5[%dma_start3A_54] : memref<1000000xf32, #tpu.memory_space<hbm>> -> memref<1000000xf32, #tpu.memory_space<hbm>>
    tpu.enqueue_indirect_dma source(%dma_start3A_55 : memref<1000000xf32, #tpu.memory_space<hbm>>) target(%dma_start3A_50 : memref<128xf32, #tpu.memory_space<vmem>>) offsets(%dma_start3A_53 : memref<128xi32, #tpu.memory_space<vmem>>) semaphore(%arg13 : memref<!tpu.dma_semaphore, #tpu.memory_space<semaphore_mem>>)
    %dma_start3A_56 = arith.constant 3 : i32
    %dma_start3A_57 = arith.constant 384 : i32
    %dma_start3A_58 = arith.constant 0 : i32
    %dma_start3A_59 = tpu.memref_slice %arg10[%dma_start3A_57, %dma_start3A_58] : memref<512x128xf32, #tpu.memory_space<vmem>> -> memref<128x128xf32, #tpu.memory_space<vmem>>
    %dma_start3A_60 = arith.constant 0 : i32
    %dma_start3A_61 = tpu.memref_slice %arg8[%dma_start3A_56, %dma_start3A_60] : memref<4x128xi32, #tpu.memory_space<vmem>> -> memref<1x128xi32, #tpu.memory_space<vmem>>
    %dma_start3A_62 = tpu.memref_squeeze %dma_start3A_61 : memref<1x128xi32, #tpu.memory_space<vmem>> -> memref<128xi32, #tpu.memory_space<vmem>>
    %dma_start3A_63 = arith.constant 0 : i32
    %dma_start3A_64 = arith.constant 0 : i32
    %dma_start3A_65 = tpu.memref_slice %arg4[%dma_start3A_63, %dma_start3A_64] : memref<503808x128xf32, #tpu.memory_space<hbm>> -> memref<503808x128xf32, #tpu.memory_space<hbm>>
    tpu.enqueue_indirect_dma source(%dma_start3A_65 : memref<503808x128xf32, #tpu.memory_space<hbm>>) target(%dma_start3A_59 : memref<128x128xf32, #tpu.memory_space<vmem>>) offsets(%dma_start3A_62 : memref<128xi32, #tpu.memory_space<vmem>>) semaphore(%arg12 : memref<!tpu.dma_semaphore, #tpu.memory_space<semaphore_mem>>)
    %dma_start3A_66 = arith.constant 3 : i32
    %dma_start3A_67 = arith.constant 384 : i32
    %dma_start3A_68 = tpu.memref_slice %arg11[%dma_start3A_67] : memref<512xf32, #tpu.memory_space<vmem>> -> memref<128xf32, #tpu.memory_space<vmem>>
    %dma_start3A_69 = arith.constant 0 : i32
    %dma_start3A_70 = tpu.memref_slice %arg9[%dma_start3A_66, %dma_start3A_69] : memref<4x128xi32, #tpu.memory_space<vmem>> -> memref<1x128xi32, #tpu.memory_space<vmem>>
    %dma_start3A_71 = tpu.memref_squeeze %dma_start3A_70 : memref<1x128xi32, #tpu.memory_space<vmem>> -> memref<128xi32, #tpu.memory_space<vmem>>
    %dma_start3A_72 = arith.constant 0 : i32
    %dma_start3A_73 = tpu.memref_slice %arg5[%dma_start3A_72] : memref<1000000xf32, #tpu.memory_space<hbm>> -> memref<1000000xf32, #tpu.memory_space<hbm>>
    tpu.enqueue_indirect_dma source(%dma_start3A_73 : memref<1000000xf32, #tpu.memory_space<hbm>>) target(%dma_start3A_68 : memref<128xf32, #tpu.memory_space<vmem>>) offsets(%dma_start3A_71 : memref<128xi32, #tpu.memory_space<vmem>>) semaphore(%arg13 : memref<!tpu.dma_semaphore, #tpu.memory_space<semaphore_mem>>)
    %dma_wait3A = arith.constant 0 : i32
    %dma_wait3A_74 = arith.constant 0 : i32
    %dma_wait3A_75 = arith.constant 0 : i32
    %dma_wait3A_76 = tpu.memref_slice %arg10[%dma_wait3A_74, %dma_wait3A_75] : memref<512x128xf32, #tpu.memory_space<vmem>> -> memref<128x128xf32, #tpu.memory_space<vmem>>
    %dma_wait3A_77 = arith.constant 0 : i32
    %dma_wait3A_78 = tpu.memref_slice %arg8[%dma_wait3A, %dma_wait3A_77] : memref<4x128xi32, #tpu.memory_space<vmem>> -> memref<1x128xi32, #tpu.memory_space<vmem>>
    %dma_wait3A_79 = tpu.memref_squeeze %dma_wait3A_78 : memref<1x128xi32, #tpu.memory_space<vmem>> -> memref<128xi32, #tpu.memory_space<vmem>>
    %dma_wait3A_80 = arith.constant 0 : i32
    %dma_wait3A_81 = arith.constant 0 : i32
    %dma_wait3A_82 = tpu.memref_slice %arg4[%dma_wait3A_80, %dma_wait3A_81] : memref<503808x128xf32, #tpu.memory_space<hbm>> -> memref<503808x128xf32, #tpu.memory_space<hbm>>
    tpu.wait_indirect_dma semaphore(%arg12 : memref<!tpu.dma_semaphore, #tpu.memory_space<semaphore_mem>>) src(%dma_wait3A_82 : memref<503808x128xf32, #tpu.memory_space<hbm>>) dst(%dma_wait3A_76 : memref<128x128xf32, #tpu.memory_space<vmem>>)
    %dma_wait3A_83 = arith.constant 0 : i32
    %dma_wait3A_84 = arith.constant 0 : i32
    %dma_wait3A_85 = tpu.memref_slice %arg11[%dma_wait3A_84] : memref<512xf32, #tpu.memory_space<vmem>> -> memref<128xf32, #tpu.memory_space<vmem>>
    %dma_wait3A_86 = arith.constant 0 : i32
    %dma_wait3A_87 = tpu.memref_slice %arg9[%dma_wait3A_83, %dma_wait3A_86] : memref<4x128xi32, #tpu.memory_space<vmem>> -> memref<1x128xi32, #tpu.memory_space<vmem>>
    %dma_wait3A_88 = tpu.memref_squeeze %dma_wait3A_87 : memref<1x128xi32, #tpu.memory_space<vmem>> -> memref<128xi32, #tpu.memory_space<vmem>>
    %dma_wait3A_89 = arith.constant 0 : i32
    %dma_wait3A_90 = tpu.memref_slice %arg5[%dma_wait3A_89] : memref<1000000xf32, #tpu.memory_space<hbm>> -> memref<1000000xf32, #tpu.memory_space<hbm>>
    tpu.wait_indirect_dma semaphore(%arg13 : memref<!tpu.dma_semaphore, #tpu.memory_space<semaphore_mem>>) src(%dma_wait3A_90 : memref<1000000xf32, #tpu.memory_space<hbm>>) dst(%dma_wait3A_85 : memref<128xf32, #tpu.memory_space<vmem>>)
    %dma_wait3A_91 = arith.constant 1 : i32
    %dma_wait3A_92 = arith.constant 128 : i32
    %dma_wait3A_93 = arith.constant 0 : i32
    %dma_wait3A_94 = tpu.memref_slice %arg10[%dma_wait3A_92, %dma_wait3A_93] : memref<512x128xf32, #tpu.memory_space<vmem>> -> memref<128x128xf32, #tpu.memory_space<vmem>>
    %dma_wait3A_95 = arith.constant 0 : i32
    %dma_wait3A_96 = tpu.memref_slice %arg8[%dma_wait3A_91, %dma_wait3A_95] : memref<4x128xi32, #tpu.memory_space<vmem>> -> memref<1x128xi32, #tpu.memory_space<vmem>>
    %dma_wait3A_97 = tpu.memref_squeeze %dma_wait3A_96 : memref<1x128xi32, #tpu.memory_space<vmem>> -> memref<128xi32, #tpu.memory_space<vmem>>
    %dma_wait3A_98 = arith.constant 0 : i32
    %dma_wait3A_99 = arith.constant 0 : i32
    %dma_wait3A_100 = tpu.memref_slice %arg4[%dma_wait3A_98, %dma_wait3A_99] : memref<503808x128xf32, #tpu.memory_space<hbm>> -> memref<503808x128xf32, #tpu.memory_space<hbm>>
    tpu.wait_indirect_dma semaphore(%arg12 : memref<!tpu.dma_semaphore, #tpu.memory_space<semaphore_mem>>) src(%dma_wait3A_100 : memref<503808x128xf32, #tpu.memory_space<hbm>>) dst(%dma_wait3A_94 : memref<128x128xf32, #tpu.memory_space<vmem>>)
    %dma_wait3A_101 = arith.constant 1 : i32
    %dma_wait3A_102 = arith.constant 128 : i32
    %dma_wait3A_103 = tpu.memref_slice %arg11[%dma_wait3A_102] : memref<512xf32, #tpu.memory_space<vmem>> -> memref<128xf32, #tpu.memory_space<vmem>>
    %dma_wait3A_104 = arith.constant 0 : i32
    %dma_wait3A_105 = tpu.memref_slice %arg9[%dma_wait3A_101, %dma_wait3A_104] : memref<4x128xi32, #tpu.memory_space<vmem>> -> memref<1x128xi32, #tpu.memory_space<vmem>>
    %dma_wait3A_106 = tpu.memref_squeeze %dma_wait3A_105 : memref<1x128xi32, #tpu.memory_space<vmem>> -> memref<128xi32, #tpu.memory_space<vmem>>
    %dma_wait3A_107 = arith.constant 0 : i32
    %dma_wait3A_108 = tpu.memref_slice %arg5[%dma_wait3A_107] : memref<1000000xf32, #tpu.memory_space<hbm>> -> memref<1000000xf32, #tpu.memory_space<hbm>>
    tpu.wait_indirect_dma semaphore(%arg13 : memref<!tpu.dma_semaphore, #tpu.memory_space<semaphore_mem>>) src(%dma_wait3A_108 : memref<1000000xf32, #tpu.memory_space<hbm>>) dst(%dma_wait3A_103 : memref<128xf32, #tpu.memory_space<vmem>>)
    %dma_wait3A_109 = arith.constant 2 : i32
    %dma_wait3A_110 = arith.constant 256 : i32
    %dma_wait3A_111 = arith.constant 0 : i32
    %dma_wait3A_112 = tpu.memref_slice %arg10[%dma_wait3A_110, %dma_wait3A_111] : memref<512x128xf32, #tpu.memory_space<vmem>> -> memref<128x128xf32, #tpu.memory_space<vmem>>
    %dma_wait3A_113 = arith.constant 0 : i32
    %dma_wait3A_114 = tpu.memref_slice %arg8[%dma_wait3A_109, %dma_wait3A_113] : memref<4x128xi32, #tpu.memory_space<vmem>> -> memref<1x128xi32, #tpu.memory_space<vmem>>
    %dma_wait3A_115 = tpu.memref_squeeze %dma_wait3A_114 : memref<1x128xi32, #tpu.memory_space<vmem>> -> memref<128xi32, #tpu.memory_space<vmem>>
    %dma_wait3A_116 = arith.constant 0 : i32
    %dma_wait3A_117 = arith.constant 0 : i32
    %dma_wait3A_118 = tpu.memref_slice %arg4[%dma_wait3A_116, %dma_wait3A_117] : memref<503808x128xf32, #tpu.memory_space<hbm>> -> memref<503808x128xf32, #tpu.memory_space<hbm>>
    tpu.wait_indirect_dma semaphore(%arg12 : memref<!tpu.dma_semaphore, #tpu.memory_space<semaphore_mem>>) src(%dma_wait3A_118 : memref<503808x128xf32, #tpu.memory_space<hbm>>) dst(%dma_wait3A_112 : memref<128x128xf32, #tpu.memory_space<vmem>>)
    %dma_wait3A_119 = arith.constant 2 : i32
    %dma_wait3A_120 = arith.constant 256 : i32
    %dma_wait3A_121 = tpu.memref_slice %arg11[%dma_wait3A_120] : memref<512xf32, #tpu.memory_space<vmem>> -> memref<128xf32, #tpu.memory_space<vmem>>
    %dma_wait3A_122 = arith.constant 0 : i32
    %dma_wait3A_123 = tpu.memref_slice %arg9[%dma_wait3A_119, %dma_wait3A_122] : memref<4x128xi32, #tpu.memory_space<vmem>> -> memref<1x128xi32, #tpu.memory_space<vmem>>
    %dma_wait3A_124 = tpu.memref_squeeze %dma_wait3A_123 : memref<1x128xi32, #tpu.memory_space<vmem>> -> memref<128xi32, #tpu.memory_space<vmem>>
    %dma_wait3A_125 = arith.constant 0 : i32
    %dma_wait3A_126 = tpu.memref_slice %arg5[%dma_wait3A_125] : memref<1000000xf32, #tpu.memory_space<hbm>> -> memref<1000000xf32, #tpu.memory_space<hbm>>
    tpu.wait_indirect_dma semaphore(%arg13 : memref<!tpu.dma_semaphore, #tpu.memory_space<semaphore_mem>>) src(%dma_wait3A_126 : memref<1000000xf32, #tpu.memory_space<hbm>>) dst(%dma_wait3A_121 : memref<128xf32, #tpu.memory_space<vmem>>)
    %dma_wait3A_127 = arith.constant 3 : i32
    %dma_wait3A_128 = arith.constant 384 : i32
    %dma_wait3A_129 = arith.constant 0 : i32
    %dma_wait3A_130 = tpu.memref_slice %arg10[%dma_wait3A_128, %dma_wait3A_129] : memref<512x128xf32, #tpu.memory_space<vmem>> -> memref<128x128xf32, #tpu.memory_space<vmem>>
    %dma_wait3A_131 = arith.constant 0 : i32
    %dma_wait3A_132 = tpu.memref_slice %arg8[%dma_wait3A_127, %dma_wait3A_131] : memref<4x128xi32, #tpu.memory_space<vmem>> -> memref<1x128xi32, #tpu.memory_space<vmem>>
    %dma_wait3A_133 = tpu.memref_squeeze %dma_wait3A_132 : memref<1x128xi32, #tpu.memory_space<vmem>> -> memref<128xi32, #tpu.memory_space<vmem>>
    %dma_wait3A_134 = arith.constant 0 : i32
    %dma_wait3A_135 = arith.constant 0 : i32
    %dma_wait3A_136 = tpu.memref_slice %arg4[%dma_wait3A_134, %dma_wait3A_135] : memref<503808x128xf32, #tpu.memory_space<hbm>> -> memref<503808x128xf32, #tpu.memory_space<hbm>>
    tpu.wait_indirect_dma semaphore(%arg12 : memref<!tpu.dma_semaphore, #tpu.memory_space<semaphore_mem>>) src(%dma_wait3A_136 : memref<503808x128xf32, #tpu.memory_space<hbm>>) dst(%dma_wait3A_130 : memref<128x128xf32, #tpu.memory_space<vmem>>)
    %dma_wait3A_137 = arith.constant 3 : i32
    %dma_wait3A_138 = arith.constant 384 : i32
    %dma_wait3A_139 = tpu.memref_slice %arg11[%dma_wait3A_138] : memref<512xf32, #tpu.memory_space<vmem>> -> memref<128xf32, #tpu.memory_space<vmem>>
    %dma_wait3A_140 = arith.constant 0 : i32
    %dma_wait3A_141 = tpu.memref_slice %arg9[%dma_wait3A_137, %dma_wait3A_140] : memref<4x128xi32, #tpu.memory_space<vmem>> -> memref<1x128xi32, #tpu.memory_space<vmem>>
    %dma_wait3A_142 = tpu.memref_squeeze %dma_wait3A_141 : memref<1x128xi32, #tpu.memory_space<vmem>> -> memref<128xi32, #tpu.memory_space<vmem>>
    %dma_wait3A_143 = arith.constant 0 : i32
    %dma_wait3A_144 = tpu.memref_slice %arg5[%dma_wait3A_143] : memref<1000000xf32, #tpu.memory_space<hbm>> -> memref<1000000xf32, #tpu.memory_space<hbm>>
    tpu.wait_indirect_dma semaphore(%arg13 : memref<!tpu.dma_semaphore, #tpu.memory_space<semaphore_mem>>) src(%dma_wait3A_144 : memref<1000000xf32, #tpu.memory_space<hbm>>) dst(%dma_wait3A_139 : memref<128xf32, #tpu.memory_space<vmem>>)
    "tpu.region"() ({
      %run_scoped3A = tpu.sem_alloc : memref<!tpu.dma_semaphore, #tpu.memory_space<semaphore_mem>>
      %dma_start3A_145 = arith.constant 0 : i32
      %dma_start3A_146 = tpu.memref_slice %arg6[%mul3A_2, %dma_start3A_145] : memref<16384x128xf32, #tpu.memory_space<hbm>> -> memref<512x128xf32, #tpu.memory_space<hbm>>
      %dma_start3A_147 = arith.constant 0 : i32
      %dma_start3A_148 = tpu.memref_slice %arg6[%mul3A_2, %dma_start3A_147] : memref<16384x128xf32, #tpu.memory_space<hbm>> -> memref<512x128xf32, #tpu.memory_space<hbm>>
      tpu.enqueue_dma source(%arg10 : memref<512x128xf32, #tpu.memory_space<vmem>>) target(%dma_start3A_148 : memref<512x128xf32, #tpu.memory_space<hbm>>) target_semaphore(%run_scoped3A : memref<!tpu.dma_semaphore, #tpu.memory_space<semaphore_mem>>)
      %dma_wait3A_149 = arith.constant 0 : i32
      %dma_wait3A_150 = tpu.memref_slice %arg6[%mul3A_2, %dma_wait3A_149] : memref<16384x128xf32, #tpu.memory_space<hbm>> -> memref<512x128xf32, #tpu.memory_space<hbm>>
      %dma_wait3A_151 = arith.constant 0 : i32
      %dma_wait3A_152 = tpu.memref_slice %arg6[%mul3A_2, %dma_wait3A_151] : memref<16384x128xf32, #tpu.memory_space<hbm>> -> memref<512x128xf32, #tpu.memory_space<hbm>>
      tpu.wait_dma2 semaphore(%run_scoped3A : memref<!tpu.dma_semaphore, #tpu.memory_space<semaphore_mem>>) src(%arg10 : memref<512x128xf32, #tpu.memory_space<vmem>>) dst(%dma_wait3A_152 : memref<512x128xf32, #tpu.memory_space<hbm>>)
      tpu.yield
    }) : () -> ()
    "tpu.region"() ({
      %run_scoped3A = tpu.sem_alloc : memref<!tpu.dma_semaphore, #tpu.memory_space<semaphore_mem>>
      %dma_start3A_145 = tpu.memref_slice %arg7[%mul3A_2] : memref<16384xf32, #tpu.memory_space<hbm>> -> memref<512xf32, #tpu.memory_space<hbm>>
      %dma_start3A_146 = tpu.memref_slice %arg7[%mul3A_2] : memref<16384xf32, #tpu.memory_space<hbm>> -> memref<512xf32, #tpu.memory_space<hbm>>
      tpu.enqueue_dma source(%arg11 : memref<512xf32, #tpu.memory_space<vmem>>) target(%dma_start3A_146 : memref<512xf32, #tpu.memory_space<hbm>>) target_semaphore(%run_scoped3A : memref<!tpu.dma_semaphore, #tpu.memory_space<semaphore_mem>>)
      %dma_wait3A_147 = tpu.memref_slice %arg7[%mul3A_2] : memref<16384xf32, #tpu.memory_space<hbm>> -> memref<512xf32, #tpu.memory_space<hbm>>
      %dma_wait3A_148 = tpu.memref_slice %arg7[%mul3A_2] : memref<16384xf32, #tpu.memory_space<hbm>> -> memref<512xf32, #tpu.memory_space<hbm>>
      tpu.wait_dma2 semaphore(%run_scoped3A : memref<!tpu.dma_semaphore, #tpu.memory_space<semaphore_mem>>) src(%arg11 : memref<512xf32, #tpu.memory_space<vmem>>) dst(%dma_wait3A_148 : memref<512xf32, #tpu.memory_space<hbm>>)
      tpu.yield
    }) : () -> ()
    return
  }
}

module attributes {stable_mosaic.version = 14 : i64} {
  func.func @_tp_body(%arg0: i32, %arg1: memref<64x4096xf32, #tpu.memory_space<vmem>>, %arg2: memref<64x4096xf32, #tpu.memory_space<vmem>>, %arg3: memref<64x64xf32, #tpu.memory_space<vmem>>, %arg4: memref<4096x128xf32, #tpu.memory_space<vmem>>) attributes {dimension_semantics = [#tpu.dimension_semantics<arbitrary>], iteration_bounds = array<i64: 123>, scalar_prefetch = 0 : i64, scratch_operands = 0 : i64, tpu.core_type = #tpu.core_type<tc>, window_params = [{transform_indices = @transform_0, window_bounds = array<i64: 64, 4096>}, {transform_indices = @transform_1, window_bounds = array<i64: 64, 4096>}, {pipeline_mode = #tpu.pipeline_mode<synchronous>, transform_indices = @transform_2, window_bounds = array<i64: 64, 64>}, {transform_indices = @transform_3, window_bounds = array<i64: 4096, 128>}]} {
    %get3A = arith.constant 0 : index
    %get3A_0 = arith.constant 0 : index
    %get3A_1 = vector.load %arg1[%get3A, %get3A_0] : memref<64x4096xf32, #tpu.memory_space<vmem>>, vector<64x4096xf32>
    %transpose3A = tpu.transpose %get3A_1, [1, 0] : vector<64x4096xf32> -> vector<4096x64xf32>
    %swap3A = arith.constant 0 : index
    %swap3A_2 = arith.constant 0 : index
    %swap3A_3 = vector.load %arg4[%swap3A, %swap3A_2] : memref<4096x128xf32, #tpu.memory_space<vmem>>, vector<4096x64xf32>
    tpu.vector_store %arg4[%swap3A, %swap3A_2], %transpose3A {strides = array<i32>} : memref<4096x128xf32, #tpu.memory_space<vmem>>, vector<4096x64xf32>,
    %get3A_4 = arith.constant 0 : index
    %get3A_5 = arith.constant 0 : index
    %get3A_6 = vector.load %arg2[%get3A_4, %get3A_5] : memref<64x4096xf32, #tpu.memory_space<vmem>>, vector<64x4096xf32>
    %get3A_7 = arith.constant 0 : index
    %get3A_8 = arith.constant 0 : index
    %get3A_9 = vector.load %arg3[%get3A_7, %get3A_8] : memref<64x64xf32, #tpu.memory_space<vmem>>, vector<64x64xf32>
    %dot_general3A = arith.constant dense<0.000000e+00> : vector<4096x64xf32>
    %dot_general3A_10 = tpu.matmul %get3A_6, %get3A_9, %dot_general3A {dimension_numbers = #tpu.dot_dimension_numbers<[0], [0], [1], [1], [0, 1, 1, 1], [], []>, transpose_lhs_hint = false} : vector<64x4096xf32>, vector<64x64xf32>, vector<4096x64xf32> -> vector<4096x64xf32>
    %swap3A_11 = arith.constant 0 : index
    %swap3A_12 = arith.constant 64 : index
    %swap3A_13 = vector.load %arg4[%swap3A_11, %swap3A_12] : memref<4096x128xf32, #tpu.memory_space<vmem>>, vector<4096x64xf32>
    tpu.vector_store %arg4[%swap3A_11, %swap3A_12], %dot_general3A_10 {strides = array<i32>} : memref<4096x128xf32, #tpu.memory_space<vmem>>, vector<4096x64xf32>,
    return
  }
  func.func @transform_0(%arg0: i32) -> (i32, i32) {
    %c0_i32 = arith.constant 0 : i32
    %c0_i32_0 = arith.constant 0 : i32
    return %c0_i32, %arg0 : i32, i32
  }
  func.func @transform_1(%arg0: i32) -> (i32, i32) {
    %add3A = arith.constant 122 : i32
    %add3A_0 = arith.addi %arg0, %add3A : i32
    %c0_i32 = arith.constant 0 : i32
    %c0_i32_1 = arith.constant 0 : i32
    return %c0_i32, %add3A_0 : i32, i32
  }
  func.func @transform_2(%arg0: i32) -> (i32, i32) {
    %c0_i32 = arith.constant 0 : i32
    %c0_i32_0 = arith.constant 0 : i32
    %c0_i32_1 = arith.constant 0 : i32
    return %c0_i32, %c0_i32_0 : i32, i32
  }
  func.func @transform_3(%arg0: i32) -> (i32, i32) {
    %c0_i32 = arith.constant 0 : i32
    %c0_i32_0 = arith.constant 0 : i32
    return %arg0, %c0_i32 : i32, i32
  }
}

module attributes {stable_mosaic.version = 14 : i64} {
  func.func @_tc_body(%arg0: i32, %arg1: memref<2048x16xf32, #tpu.memory_space<vmem>>, %arg2: memref<16x2048xf32, #tpu.memory_space<vmem>>, %arg3: memref<16x64xf32, #tpu.memory_space<vmem>>, %arg4: memref<16x1xf32, #tpu.memory_space<vmem>>, %arg5: memref<2048x1xf32, #tpu.memory_space<vmem>>, %arg6: memref<2048x1xf32, #tpu.memory_space<vmem>>, %arg7: memref<1x1x2048xf32, #tpu.memory_space<vmem>>, %arg8: memref<1x1x2048xf32, #tpu.memory_space<vmem>>, %arg9: memref<2048x128xf32, #tpu.memory_space<vmem>>, %arg10: memref<2048x64xf32, #tpu.memory_space<vmem>>, %arg11: memref<1x1x2048xf32, #tpu.memory_space<vmem>>) attributes {dimension_semantics = [#tpu.dimension_semantics<arbitrary>], iteration_bounds = array<i64: 8>, scalar_prefetch = 0 : i64, scratch_operands = 0 : i64, tpu.core_type = #tpu.core_type<tc>, window_params = [{transform_indices = @transform_0, window_bounds = array<i64: 2048, 16>}, {transform_indices = @transform_1, window_bounds = array<i64: 16, 2048>}, {pipeline_mode = #tpu.pipeline_mode<synchronous>, transform_indices = @transform_2, window_bounds = array<i64: 16, 64>}, {pipeline_mode = #tpu.pipeline_mode<synchronous>, transform_indices = @transform_3, window_bounds = array<i64: 16, 1>}, {transform_indices = @transform_4, window_bounds = array<i64: 2048, 1>}, {transform_indices = @transform_5, window_bounds = array<i64: 2048, 1>}, {transform_indices = @transform_6, window_bounds = array<i64: 1, 1, 2048>}, {transform_indices = @transform_7, window_bounds = array<i64: 1, 1, 2048>}, {transform_indices = @transform_8, window_bounds = array<i64: 2048, 128>}, {transform_indices = @transform_9, window_bounds = array<i64: 2048, 64>}, {transform_indices = @transform_10, window_bounds = array<i64: 1, 1, 2048>}]} {
    %get3A = arith.constant 0 : index
    %get3A_0 = arith.constant 0 : index
    %get3A_1 = vector.load %arg1[%get3A, %get3A_0] : memref<2048x16xf32, #tpu.memory_space<vmem>>, vector<2048x16xf32>
    %get3A_2 = arith.constant 0 : index
    %get3A_3 = arith.constant 0 : index
    %get3A_4 = vector.load %arg3[%get3A_2, %get3A_3] : memref<16x64xf32, #tpu.memory_space<vmem>>, vector<16x64xf32>
    %dot_general3A = arith.constant dense<0.000000e+00> : vector<2048x64xf32>
    %dot_general3A_5 = tpu.matmul %get3A_1, %get3A_4, %dot_general3A {dimension_numbers = #tpu.dot_dimension_numbers<[1], [0], [0], [1], [0, 0, 1, 1], [], []>, transpose_lhs_hint = false} : vector<2048x16xf32>, vector<16x64xf32>, vector<2048x64xf32> -> vector<2048x64xf32>
    %get3A_6 = arith.constant 0 : index
    %get3A_7 = arith.constant 0 : index
    %get3A_8 = vector.load %arg9[%get3A_6, %get3A_7] : memref<2048x128xf32, #tpu.memory_space<vmem>>, vector<2048x128xf32>
    %get3A_9 = arith.constant 0 : index
    %get3A_10 = arith.constant 0 : index
    %get3A_11 = vector.load %arg6[%get3A_9, %get3A_10] : memref<2048x1xf32, #tpu.memory_space<vmem>>, vector<2048x1xf32>
    %gt3A = arith.constant 0.000000e+00 : f32
    %gt3A_12 = vector.broadcast %gt3A : f32 to vector<2048x1xf32>
    %gt3A_13 = arith.cmpf ogt, %get3A_11, %gt3A_12 : vector<2048x1xf32>
    %slice3A = vector.extract_strided_slice %get3A_8 {offsets = [0, 64], sizes = [2048, 64], strides = [1, 1]} : vector<2048x128xf32> to vector<2048x64xf32>
    %slice3A_14 = vector.extract_strided_slice %get3A_8 {offsets = [0, 0], sizes = [2048, 64], strides = [1, 1]} : vector<2048x128xf32> to vector<2048x64xf32>
    %broadcast_in_dim3A = vector.shape_cast %gt3A_13 : vector<2048x1xi1> to vector<2048x1xi1>
    %broadcast_in_dim3A_15 = vector.broadcast %broadcast_in_dim3A : vector<2048x1xi1> to vector<2048x64xi1>
    %select_n3A = arith.select %broadcast_in_dim3A_15, %slice3A, %slice3A_14 : vector<2048x64xi1>, vector<2048x64xf32>
    %get3A_16 = arith.constant 0 : index
    %get3A_17 = arith.constant 0 : index
    %get3A_18 = vector.load %arg5[%get3A_16, %get3A_17] : memref<2048x1xf32, #tpu.memory_space<vmem>>, vector<2048x1xf32>
    %gt3A_19 = arith.constant 0.000000e+00 : f32
    %gt3A_20 = vector.broadcast %gt3A_19 : f32 to vector<2048x1xf32>
    %gt3A_21 = arith.cmpf ogt, %get3A_18, %gt3A_20 : vector<2048x1xf32>
    %broadcast_in_dim3A_22 = vector.shape_cast %gt3A_21 : vector<2048x1xi1> to vector<2048x1xi1>
    %broadcast_in_dim3A_23 = vector.broadcast %broadcast_in_dim3A_22 : vector<2048x1xi1> to vector<2048x64xi1>
    %select_n3A_24 = arith.select %broadcast_in_dim3A_23, %dot_general3A_5, %select_n3A : vector<2048x64xi1>, vector<2048x64xf32>
    %swap3A = arith.constant 0 : index
    %swap3A_25 = arith.constant 0 : index
    %swap3A_26 = vector.load %arg10[%swap3A, %swap3A_25] : memref<2048x64xf32, #tpu.memory_space<vmem>>, vector<2048x64xf32>
    tpu.vector_store %arg10[%swap3A, %swap3A_25], %select_n3A_24 {strides = array<i32>} : memref<2048x64xf32, #tpu.memory_space<vmem>>, vector<2048x64xf32>,
    %get3A_27 = arith.constant 0 : index
    %get3A_28 = arith.constant 0 : index
    %get3A_29 = vector.load %arg2[%get3A_27, %get3A_28] : memref<16x2048xf32, #tpu.memory_space<vmem>>, vector<16x2048xf32>
    %get3A_30 = arith.constant 0 : index
    %get3A_31 = arith.constant 0 : index
    %get3A_32 = vector.load %arg4[%get3A_30, %get3A_31] : memref<16x1xf32, #tpu.memory_space<vmem>>, vector<16x1xf32>
    %mul3A = vector.broadcast %get3A_32 : vector<16x1xf32> to vector<16x2048xf32>
    %mul3A_33 = arith.mulf %get3A_29, %mul3A : vector<16x2048xf32>
    %reduce_sum3A = arith.constant dense<0.000000e+00> : vector<2048xf32>
    %reduce_sum3A_34 = vector.multi_reduction <add>, %mul3A_33, %reduce_sum3A [0] : vector<16x2048xf32> to vector<2048xf32>
    %get3A_35 = arith.constant 0 : index
    %get3A_36 = arith.constant 0 : index
    %get3A_37 = arith.constant 0 : index
    %get3A_38 = vector.load %arg7[%get3A_35, %get3A_36, %get3A_37] : memref<1x1x2048xf32, #tpu.memory_space<vmem>>, vector<1x1x2048xf32>
    %get3A_39 = vector.shape_cast %get3A_38 : vector<1x1x2048xf32> to vector<2048xf32>
    %gt3A_40 = arith.constant 0.000000e+00 : f32
    %gt3A_41 = vector.broadcast %gt3A_40 : f32 to vector<2048xf32>
    %gt3A_42 = arith.cmpf ogt, %get3A_39, %gt3A_41 : vector<2048xf32>
    %get3A_43 = arith.constant 0 : index
    %get3A_44 = arith.constant 0 : index
    %get3A_45 = arith.constant 0 : index
    %get3A_46 = vector.load %arg8[%get3A_43, %get3A_44, %get3A_45] : memref<1x1x2048xf32, #tpu.memory_space<vmem>>, vector<1x1x2048xf32>
    %get3A_47 = vector.shape_cast %get3A_46 : vector<1x1x2048xf32> to vector<2048xf32>
    %select_n3A_48 = arith.select %gt3A_42, %reduce_sum3A_34, %get3A_47 : vector<2048xi1>, vector<2048xf32>
    %swap3A_49 = arith.constant 0 : index
    %swap3A_50 = arith.constant 0 : index
    %swap3A_51 = arith.constant 0 : index
    %swap3A_52 = vector.load %arg11[%swap3A_49, %swap3A_50, %swap3A_51] : memref<1x1x2048xf32, #tpu.memory_space<vmem>>, vector<1x1x2048xf32>
    %swap3A_53 = vector.shape_cast %swap3A_52 : vector<1x1x2048xf32> to vector<2048xf32>
    %swap3A_54 = vector.shape_cast %select_n3A_48 : vector<2048xf32> to vector<1x1x2048xf32>
    tpu.vector_store %arg11[%swap3A_49, %swap3A_50, %swap3A_51], %swap3A_54 {strides = array<i32>} : memref<1x1x2048xf32, #tpu.memory_space<vmem>>, vector<1x1x2048xf32>,
    return
  }
  func.func @transform_0(%arg0: i32) -> (i32, i32) {
    %c0_i32 = arith.constant 0 : i32
    %c0_i32_0 = arith.constant 0 : i32
    return %arg0, %c0_i32 : i32, i32
  }
  func.func @transform_1(%arg0: i32) -> (i32, i32) {
    %c0_i32 = arith.constant 0 : i32
    %c0_i32_0 = arith.constant 0 : i32
    return %c0_i32, %arg0 : i32, i32
  }
  func.func @transform_2(%arg0: i32) -> (i32, i32) {
    %c0_i32 = arith.constant 0 : i32
    %c0_i32_0 = arith.constant 0 : i32
    %c0_i32_1 = arith.constant 0 : i32
    return %c0_i32, %c0_i32_0 : i32, i32
  }
  func.func @transform_3(%arg0: i32) -> (i32, i32) {
    %c0_i32 = arith.constant 0 : i32
    %c0_i32_0 = arith.constant 0 : i32
    %c0_i32_1 = arith.constant 0 : i32
    return %c0_i32, %c0_i32_0 : i32, i32
  }
  func.func @transform_4(%arg0: i32) -> (i32, i32) {
    %c0_i32 = arith.constant 0 : i32
    %c0_i32_0 = arith.constant 0 : i32
    return %arg0, %c0_i32 : i32, i32
  }
  func.func @transform_5(%arg0: i32) -> (i32, i32) {
    %c0_i32 = arith.constant 0 : i32
    %c0_i32_0 = arith.constant 0 : i32
    return %arg0, %c0_i32 : i32, i32
  }
  func.func @transform_6(%arg0: i32) -> (i32, i32, i32) {
    %c0_i32 = arith.constant 0 : i32
    %c0_i32_0 = arith.constant 0 : i32
    %c0_i32_1 = arith.constant 0 : i32
    return %arg0, %c0_i32, %c0_i32_0 : i32, i32, i32
  }
  func.func @transform_7(%arg0: i32) -> (i32, i32, i32) {
    %c0_i32 = arith.constant 0 : i32
    %c0_i32_0 = arith.constant 0 : i32
    %c0_i32_1 = arith.constant 0 : i32
    return %arg0, %c0_i32, %c0_i32_0 : i32, i32, i32
  }
  func.func @transform_8(%arg0: i32) -> (i32, i32) {
    %c0_i32 = arith.constant 0 : i32
    %c0_i32_0 = arith.constant 0 : i32
    return %arg0, %c0_i32 : i32, i32
  }
  func.func @transform_9(%arg0: i32) -> (i32, i32) {
    %c0_i32 = arith.constant 0 : i32
    %c0_i32_0 = arith.constant 0 : i32
    return %arg0, %c0_i32 : i32, i32
  }
  func.func @transform_10(%arg0: i32) -> (i32, i32, i32) {
    %c0_i32 = arith.constant 0 : i32
    %c0_i32_0 = arith.constant 0 : i32
    %c0_i32_1 = arith.constant 0 : i32
    return %arg0, %c0_i32, %c0_i32_0 : i32, i32, i32
  }
}

</mosaic_0001>

<sc_bundles>
// kernel: kernel.5.cloned.1.call-start
scs
__scs_entry_jumppad:
0x0: {  	(pc) =	sbr.rel $0x88, $3  }
0x1: {  	(tag) =	ssettag $0x0;
	lr =	simm.s32 $0x1  }
0x2: {  	[smem:$0x3F9A] =	sst lr;
	_ =	strace $0xD0000000  }
0x3: {  	_ = 	snop  }
0x4: {  	_ = 	snop  }
0x5: {  	_ = 	snop  }
0x6: {  	_ = 	snop  }
0x7: {  	_ = 	snop  }
__scs_overlays_trampoline_lowered:
0x8: {  	[smem:$0x3FA9] =	sst s0  }
0x9: {  	[smem:$0x3FAA] =	sst s1  }
0xa: {  	[smem:$0x3FAB] =	sst s2  }
0xb: {  	[smem:$0x3FAC] =	sst s3  }
0xc: {  	[smem:$0x3FAD] =	sst s4  }
0xd: {  	[smem:$0x3FAE] =	sst s5  }
0xe: {  	[smem:$0x3FAF] =	sst s6  }
0xf: {  	[smem:$0x3FB0] =	sst s7  }
0x10: {  	[smem:$0x3FB1] =	sst s8  }
0x11: {  	[smem:$0x3FB2] =	sst s9;
	s0 =	simm.s32 @!p0 $0x0  }
0x12: {  	s1 =	sld [smem:$0x3F98];
	s0 =	simm.s32 @p0 $0x1  }
0x13: {  	[smem:$0x3FB3] =	sst s0;
	s0 =	simm.s32 @!p1 $0x0  }
0x14: {  	s2 =	sld [smem:$0x3F97];
	s0 =	simm.s32 @p1 $0x1  }
0x15: {  	[smem:$0x3FB4] =	sst s0;
	s0 =	simm.s32 @!p2 $0x0  }
0x16: {  	s3 =	sld [smem:$0x3FDB];
	s0 =	simm.s32 @p2 $0x1  }
0x17: {  	s4 =	simm.s32 $0x1BF5;
	[smem:$0x3FB6] =	sst s0  }
0x18: {  	s0 =	sld [smem:$0x3F99];
	_ =	swait.ge [sflag:s4], $0x0  }
0x19: {  	s7 =	sld [smem:$0x3F9A]  }
0x1a: {  	s8 =	sadd.s32 $0xFFFFE003, lr  }
0x1b: {  	s9 =	sadd.s32 $0xFFFFFEF7, lr;
	s5 =	simm.s32 $0xFFFFFFFF;
	p2 =	slt.u32 s8, $0xFFFFF086  }
0x1c: {  	p1 =	slt.u32 s9, $0xF7A;
	s5 =	simm.s32 @!p2 $0x0  }
0x1d: {  	s5 =	simm.s32 @p1 $0x1;
	p0 =	seq.s32 s7, s2  }
0x1e: {  	s7 =	smul.u32 @!p0 $0xF7A, s2;
	p2 =	seq.s32 @!p0 s5, $0x0  }
0x1f: {  	s9 =	smul.u32 $0xF7A, s1;
	s8 =	simm.s32 @!p0 $0x1BF5;
	p2 =	por !p2, p0  }
0x20: {  	[sflag:s8] =	ssyncset.s32 @!p0 $0xFFFFF086;
	s6 =	sadd.s32 @!p0 s3, s7;
	s7 =	simm.s32 @!p0 $0x108  }
0x21: {  	s3 =	sadd.s32 s3, s9;
	s6 =	sadd.s32 @!p0 $0x88, s6;
	s7 =	simm.s32 @p2 $0x1082  }
0x22: {  	[simem:s7], [sflag:s8] =	dma.local @!p0 [hbm:s6], $0xF7A  }
0x23: {  	s9 =	sor.u32 $0xD0000000, s2;
	s6 =	simm.s32 $0x108;
	_ =	swait.ge @!p0 [sflag:s8], $0x0  }
0x24: {  	s3 =	sadd.s32 $0x88, s3;
	s6 =	simm.s32 @!p1 $0x1082;
	[sflag:s4] =	ssyncset.s32 $0xFFFFF086  }
0x25: {  	[simem:s6], [sflag:s4] =	dma.local [hbm:s3], $0xF7A  }
0x26: {  	[smem:$0x3F9A] =	sst s1;
	(tag) =	ssettag s2;
	_ =	strace s9  }
0x27: {  	s1 =	sld [smem:$0x3FAA]  }
0x28: {  	s2 =	sld [smem:$0x3FAB]  }
0x29: {  	s4 =	sld [smem:$0x3FAD]  }
0x2a: {  	p0 =	seq.s32 s5, $0x0;
	s5 =	sld [smem:$0x3FAE]  }
0x2b: {  	s6 =	sld [smem:$0x3FAF]  }
0x2c: {  	s7 =	sld [smem:$0x3FB0]  }
0x2d: {  	s3 =	simm.s32 $0x108;
	s8 =	sld [smem:$0x3FB1]  }
0x2e: {  	s3 =	simm.s32 @!p0 $0x1082;
	s9 =	sld [smem:$0x3FB2]  }
0x2f: {  	lr =	sadd.s32 s0, s3;
	s0 =	sld [smem:$0x3FA9]  }
0x30: {  	s3 =	sld [smem:$0x3FAC]  }
0x31: {  	[smem:$0x3FB5] =	sst s10  }
0x32: {  	s10 =	sld [smem:$0x3FB3];
	_ =	sdelay $0x3  }
0x33: {  	p0 =	seq.s32 s10, $0x1;
	s10 =	sld [smem:$0x3FB5];
	_ =	sdelay $0x3  }
0x34: {  	[smem:$0x3FB5] =	sst s10  }
0x35: {  	s10 =	sld [smem:$0x3FB4];
	_ =	sdelay $0x3  }
0x36: {  	p1 =	seq.s32 s10, $0x1;
	s10 =	sld [smem:$0x3FB5];
	_ =	sdelay $0x3  }
0x37: {  	[smem:$0x3FB5] =	sst s10  }
0x38: {  	s10 =	sld [smem:$0x3FB6]  }
0x39: {  	_ = 	snop;
	(pc) =	sbr.ind lr, $3  }
0x3a: {  	_ = 	snop  }
0x3b: {  	_ = 	snop  }
0x3c: {  	p2 =	seq.s32 s10, $0x1;
	s10 =	sld [smem:$0x3FB5]  }
0x3d: {  	_ =	shalt  }
0x3e: {  	_ =	shalt  }
0x3f: {  	_ =	shalt  }
0x40: {  	_ =	shalt  }
0x41: {  	_ =	shalt  }
0x42: {  	_ =	shalt  }
0x43: {  	_ =	shalt  }
0x44: {  	_ =	shalt  }
0x45: {  	_ =	shalt  }
0x46: {  	_ =	shalt  }
0x47: {  	_ =	shalt  }
0x48: {  	_ =	shalt  }
0x49: {  	_ =	shalt  }
0x4a: {  	_ =	shalt  }
0x4b: {  	_ =	shalt  }
0x4c: {  	_ =	shalt  }
0x4d: {  	_ =	shalt  }
0x4e: {  	_ =	shalt  }
0x4f: {  	_ =	shalt  }
0x50: {  	_ =	shalt  }
0x51: {  	_ =	shalt  }
0x52: {  	_ =	shalt  }
0x53: {  	_ =	shalt  }
0x54: {  	_ =	shalt  }
0x55: {  	_ =	shalt  }
0x56: {  	_ =	shalt  }
0x57: {  	_ =	shalt  }
0x58: {  	_ =	shalt  }
0x59: {  	_ =	shalt  }
0x5a: {  	_ =	shalt  }
0x5b: {  	_ =	shalt  }
0x5c: {  	_ =	shalt  }
0x5d: {  	_ =	shalt  }
0x5e: {  	_ =	shalt  }
0x5f: {  	_ =	shalt  }
0x60: {  	_ =	shalt  }
0x61: {  	_ =	shalt  }
0x62: {  	_ =	shalt  }
0x63: {  	_ =	shalt  }
0x64: {  	_ =	shalt  }
0x65: {  	_ =	shalt  }
0x66: {  	_ =	shalt  }
0x67: {  	_ =	shalt  }
0x68: {  	_ =	shalt  }
0x69: {  	_ =	shalt  }
0x6a: {  	_ =	shalt  }
0x6b: {  	_ =	shalt  }
0x6c: {  	_ =	shalt  }
0x6d: {  	_ =	shalt  }
0x6e: {  	_ =	shalt  }
0x6f: {  	_ =	shalt  }
0x70: {  	_ =	shalt  }
0x71: {  	_ =	shalt  }
0x72: {  	_ =	shalt  }
0x73: {  	_ =	shalt  }
0x74: {  	_ =	shalt  }
0x75: {  	_ =	shalt  }
0x76: {  	_ =	shalt  }
0x77: {  	_ =	shalt  }
0x78: {  	_ =	shalt  }
0x79: {  	_ =	shalt  }
0x7a: {  	_ =	shalt  }
0x7b: {  	_ =	shalt  }
0x7c: {  	_ =	shalt  }
0x7d: {  	_ =	shalt  }
0x7e: {  	_ =	shalt  }
0x7f: {  	_ =	shalt  }
0x80: {  	_ =	shalt  }
0x81: {  	_ =	shalt  }
0x82: {  	_ =	shalt  }
0x83: {  	_ =	shalt  }
0x84: {  	_ =	shalt  }
0x85: {  	_ =	shalt  }
0x86: {  	_ =	shalt  }
0x87: {  	_ =	shalt  }
.Lfunc_end0:
.L_simem_size_0:
called_computation_lowered:
.L_overlay_start_0:
0x88: {  	s2 =	sld [smem:$0x3FD9]  }
0x89: {  	s3 =	sld [smem:$0x3FFE];
	_ =	sdelay $0x1  }
0x8a: {  	s1 =	srdreg.scid  }
0x8b: {  	s0 =	sand.u32 $0x1, s1  }
0x8c: {  	s14 =	sshll.u32 s0, $0xA;
	s2 =	sadd.s32 s3, s2  }
0x8d: {  	s2 =	sadd.s32 s2, s14  }
0x8e: {  	[smem:$0x3FC1] =	sst s2  }
0x8f: {  	_ = 	snop  }
0x90: {  	s2 =	sld [smem:$0x3FD0];
	_ =	sdelay $0x2  }
0x91: {  	s4 =	simm.s32 $0xA;
	s5 =	simm.s32 $0x10;
	s15 =	sld [smem:$0x3FC9]  }
0x92: {  	[smem:s5], [sflag:s4] =	dma.local [hbm:s2], $0x1  }
0x93: {  	_ =	swait.eq [sflag:s4], $0x1  }
0x94: {  	[sflag:s4] =	ssyncset.done $0x0  }
0x95: {  	s16 =	sld [smem:$0x10];
	[sflag:s4] =	ssyncadd.s32 $0xFFFFFFFF  }
0x96: {  	s17 =	sld [smem:$0x11];
	(tm) =	ssettm $0x1  }
0x97: {  	s18 =	sld [smem:$0x3FFB];
	_ =	sdelay $0x3  }
0x98: {  	_ =	strace s18  }
0x99: {  	s5 =	sld [smem:$0x3FFC];
	_ =	sdelay $0x3  }
0x9a: {  	_ =	strace s5  }
0x9b: {  	s5 =	sld [smem:$0x3FFD];
	_ =	sdelay $0x3  }
0x9c: {  	_ =	strace s5  }
0x9d: {  	_ =	strace $0x8FFFFFFF  }
0x9e: {  	s19 =	sld [smem:$0x3FDB];
	_ =	sdelay $0x1  }
0x9f: {  	s6 =	simm.s32 $_scs_section_size  }
0xa0: {  	s7 =	simm.s32 $_size__tile_overlayer_lowered;
	s8 =	simm.s32 $_tile_overlayer_lowered  }
0xa1: {  	s22 =	simm.s32 $0x1BFF;
	s21 =	sshll.u32 s8, $0x1;
	s5 =	sadd.s32 s6, s19  }
0xa2: {  	s9 =	simm.s32 $0x0;
	s20 =	sshll.u32 s7, $0x1;
	s7 =	sadd.s32 s21, s5  }
0xa3: {  	[timem:s9], [sflag:s22] =	dma.local [hbm:s7], s20  }
0xa4: {  	_ =	swait.ge [sflag:s22], s20  }
0xa5: {  	s6 =	ssub.s32 $0x0, s20;
	[sflag:s22] =	ssyncset.done $0x0  }
0xa6: {  	[sflag:s22] =	ssyncadd.s32 s6;
	_ =	sdelay $0x1  }
0xa7: {  	s23 =	simm.s32 $0x1B8B  }
0xa8: {  	_ =	swait.ge [sflag:s23], $0x1  }
0xa9: {  	[sflag:s23] =	ssyncset.done $0x0  }
0xaa: {  	s25 =	simm.s32 $0x1B8E;
	s24 =	sld [smem:$0x3FFE];
	[sflag:s23] =	ssyncadd.s32 $0xFFFFFFFF  }
0xab: {  	s26 =	simm.s32 $execute0_lowered;
	[smem:$0x3FD2] =	sst s25  }
0xac: {  	s7 =	sshll.u32 s26, $0x1;
	_ =	strace $0x80000046;
	[dreg:$0x1] =	wrdreg $0xFFFFFFFF  }
0xad: {  	s28 =	simm.s32 $_size_execute0_lowered;
	s5 =	sadd.s32 s5, s7;
	[dreg:$0x0] =	wrdreg $0x0  }
0xae: {  	s7 =	sshll.u32 s28, $0x1;
	[dreg:$0x2] =	wrdreg s5  }
0xaf: {  	[dreg:$0x3] =	wrdreg s7  }
0xb0: {  	[dreg:$0x4] =	wrdreg $0xC0  }
0xb1: {  	_ =	task [dreg:s9], $0x5FFFF  }
0xb2: {  	[dreg:$0x1] =	wrdreg $0xFFFFFFFF  }
0xb3: {  	[dreg:$0x0] =	wrdreg $0x60  }
0xb4: {  	[dreg:$0x2] =	wrdreg s17  }
0xb5: {  	[dreg:$0x3] =	wrdreg s15  }
0xb6: {  	[dreg:$0x4] =	wrdreg s24  }
0xb7: {  	[dreg:$0x5] =	wrdreg s16  }
0xb8: {  	[dreg:$0x6] =	wrdreg $0x9  }
0xb9: {  	_ =	task.clear_ibuf [dreg:s9], $0x7FFFF;
	_ =	strace $0x90000046  }
0xba: {  	s29 =	simm.s32 $0x9;
	_ =	strace $0x80000048  }
0xbb: {  	_ =	swait.ge [sflag:s29], $0x1  }
0xbc: {  	[sflag:s29] =	ssyncadd.s32 $0xFFFFFFFF  }
0xbd: {  	_ =	strace $0x90000048  }
0xbe: {  	_ =	sfence  }
0xbf: {  	s30 =	sld [smem:$0x0];
	_ =	sdelay $0x2  }
0xc0: {  	s31 =	sshll.u32 s1, $0xD;
	s1 =	sshrl.u32 s1, $0x2  }
0xc1: {  	s3 =	sand.u32 $0x4000, s31;
	s1 =	sadd.s32 s1, s30  }
0xc2: {  	s0 =	sor.u32 s3, s0;
	s1 =	sshll.u32 s1, $0x11  }
0xc3: {  	s0 =	sor.u32 s1, s0  }
0xc4: {  	s0 =	sadd.s32 $0x8F2B, s0  }
0xc5: {  	[sflag:s0] =	ssyncadd.remote.s32 $0x1  }
0xc6: {  	_ =	sfence.sel $0xFFFF  }
0xc7: {  	[dreg:$0x0] =	wrdreg $0xFFFFFFFF;
	(pc) =	sbr.abs _section_cstart, $3  }
0xc8: {  	[dreg:$0x1] =	wrdreg $0xFFFFFFFF  }
0xc9: {  	_ =	task.clear_ibuf [dreg:s9], $0x2FFFF;
	_ =	strace $0x9FFFFFFF  }
0xca: {  	(tm) =	ssettm $0x7FFFFFFF  }
0xcb: {  	_ =	shalt  }
tec
execute0_lowered:
.L_overlay_start_1:
0x0: {  	(tag) =	ssettag $0x1  }
0x1: {  	s4 =	rddreg [dreg:$0x0]  }
0x2: {  	s6 =	rddreg [dreg:$0x1];
	s1 =	srdreg.scid  }
0x3: {  	s26 =	rddreg [dreg:$0x2];
	s0 =	stileid.u32;
	s25 =	sand.u32 $0x1, s1  }
0x4: {  	s2 =	rddreg [dreg:$0x3];
	s5 =	sshll.u32 s0, $0xA;
	s7 =	sshll.u32 s25, $0x9  }
0x5: {  	s3 =	simm.s32 $0x0;
	s1 =	rddreg [dreg:$0x4];
	s29 =	sor.u32 s7, s5  }
0x6: {  	[smem:$0x7FF] =	sst s3;
	s28 =	sshrl.u32 s29, $0x3  }
0x7: {  	_ =	strace $0x80000047;
	s5 =	sadd.s32 s4, s28;
	s4 =	simm.s32 $0x3  }
0x8: {  	[tilespmem:s3], [sflag:$0x3] =	stream.linear.gather [hbm4b:s5+s3], $0x200, $0x38;
	[tilespmem:$0x10600] =	vst v63  }
0x9: {  	_ =	swait.ge [sflag:s4], $0x200  }
0xa: {  	[sflag:s4] =	ssyncset.done $0x0  }
0xb: {  	s7 =	simm.s32 $0x200;
	s6 =	sadd.s32 s6, s28;
	[sflag:s4] =	ssyncadd.s32 $0xFFFFFE00  }
0xc: {  	[tilespmem:s7], [sflag:$0x3] =	stream.linear.gather [hbm4b:s6+s3], $0x200, $0x38;
	[tilespmem:$0x10600] =	vst v63  }
0xd: {  	_ =	swait.ge [sflag:s4], $0x200  }
0xe: {  	s9 =	simm.s32 $0x80;
	[sflag:s4] =	ssyncset.done $0x0  }
0xf: {  	s10 =	simm.s32 $0x400;
	s8 =	sadd.s32 $0x1400, s26;
	[sflag:s4] =	ssyncadd.s32 $0xFFFFFE00  }
0x10: {  	[tilespmem:s10], [sflag:$0x1] =	stream.indirect.gather [hbm4b:s8+s9], $0x80, s3, s9, $0xb8;
	[tilespmem:$0x10600] =	vst v63  }
0x11: {  	s11 =	simm.s32 $0x10400  }
0x12: {  	[tilespmem:s11], [sflag:$0x2] =	stream.indirect.gather [hbm4b:s2+s9], $0x1, s7, s9, $0xb8;
	[tilespmem:$0x10600] =	vst v63  }
0x13: {  	s12 =	simm.s32 $0x4400  }
0x14: {  	[tilespmem:s12], [sflag:$0x1] =	stream.indirect.gather [hbm4b:s8+s9], $0x80, s9, s9, $0xb8;
	[tilespmem:$0x10600] =	vst v63  }
0x15: {  	s13 =	simm.s32 $0x280;
	s14 =	simm.s32 $0x10480  }
0x16: {  	[tilespmem:s14], [sflag:$0x2] =	stream.indirect.gather [hbm4b:s2+s9], $0x1, s13, s9, $0xb8;
	[tilespmem:$0x10600] =	vst v63  }
0x17: {  	s15 =	simm.s32 $0x100;
	s16 =	simm.s32 $0x8400  }
0x18: {  	[tilespmem:s16], [sflag:$0x1] =	stream.indirect.gather [hbm4b:s8+s9], $0x80, s15, s9, $0xb8;
	[tilespmem:$0x10600] =	vst v63  }
0x19: {  	s17 =	simm.s32 $0x300;
	s18 =	simm.s32 $0x10500  }
0x1a: {  	[tilespmem:s18], [sflag:$0x2] =	stream.indirect.gather [hbm4b:s2+s9], $0x1, s17, s9, $0xb8;
	[tilespmem:$0x10600] =	vst v63  }
0x1b: {  	s19 =	simm.s32 $0x180;
	s20 =	simm.s32 $0xC400  }
0x1c: {  	[tilespmem:s20], [sflag:$0x1] =	stream.indirect.gather [hbm4b:s8+s9], $0x80, s19, s9, $0xb8;
	[tilespmem:$0x10600] =	vst v63  }
0x1d: {  	s21 =	simm.s32 $0x380;
	s22 =	simm.s32 $0x10580;
	s23 =	simm.s32 $0x1  }
0x1e: {  	[tilespmem:s22], [sflag:$0x2] =	stream.indirect.gather [hbm4b:s2+s9], $0x1, s21, s9, $0xb8;
	[tilespmem:$0x10600] =	vst v63  }
0x1f: {  	_ =	swait.ge [sflag:s23], $0x4000  }
0x20: {  	[sflag:s23] =	ssyncset.done $0x0  }
0x21: {  	s24 =	simm.s32 $0x2;
	[sflag:s23] =	ssyncadd.s32 $0xFFFFC000  }
0x22: {  	_ =	swait.ge [sflag:s24], $0x80  }
0x23: {  	[sflag:s24] =	ssyncset.done $0x0  }
0x24: {  	[sflag:s24] =	ssyncadd.s32 $0xFFFFFF80  }
0x25: {  	_ =	swait.ge [sflag:s23], $0x4000  }
0x26: {  	[sflag:s23] =	ssyncset.done $0x0  }
0x27: {  	[sflag:s23] =	ssyncadd.s32 $0xFFFFC000  }
0x28: {  	_ =	swait.ge [sflag:s24], $0x80  }
0x29: {  	[sflag:s24] =	ssyncset.done $0x0  }
0x2a: {  	[sflag:s24] =	ssyncadd.s32 $0xFFFFFF80  }
0x2b: {  	_ =	swait.ge [sflag:s23], $0x4000  }
0x2c: {  	[sflag:s23] =	ssyncset.done $0x0  }
0x2d: {  	[sflag:s23] =	ssyncadd.s32 $0xFFFFC000  }
0x2e: {  	_ =	swait.ge [sflag:s24], $0x80  }
0x2f: {  	[sflag:s24] =	ssyncset.done $0x0  }
0x30: {  	[sflag:s24] =	ssyncadd.s32 $0xFFFFFF80  }
0x31: {  	_ =	swait.ge [sflag:s23], $0x4000  }
0x32: {  	[sflag:s23] =	ssyncset.done $0x0  }
0x33: {  	s30 =	ssub.s32 $0x2, s25;
	s29 =	sshll.u32 s29, $0x4;
	[sflag:s23] =	ssyncadd.s32 $0xFFFFC000  }
0x34: {  	s31 =	sshrl.u32 s30, $0x1;
	s29 =	sadd.s32 s29, s26;
	_ =	swait.ge [sflag:s24], $0x80  }
0x35: {  	s26 =	sadd.s32 s28, s26;
	s28 =	ssub.s32 s30, s31;
	[sflag:s24] =	ssyncset.done $0x0  }
0x36: {  	s25 =	sadd.s32 $0x7B1C00, s29;
	s28 =	smax.u32 s28, $0x1;
	[sflag:s24] =	ssyncadd.s32 $0xFFFFFF80  }
0x37: {  	[hbm4b:s25+s3] =	stream.linear.scatter [tilespmem:s10], [sflag:$0x3], $0x10000, $0x38;
	[tilespmem:$0x10600] =	vst v63  }
0x38: {  	p0 =	sne.s32 s28, $0x1;
	_ =	swait.ge [sflag:s4], $0x10000  }
.Ltmp0:
0x39: {  	[sflag:s4] =	ssyncset.done $0x0;
	(pc) =	sbr.rel @!p0 .LBB2_2-.Ltmp0, $4  }
0x3a: {  	s26 =	sadd.s32 $0x7B1400, s26;
	[sflag:s4] =	ssyncadd.s32 $0xFFFF0000  }
0x3b: {  	[hbm4b:s26+s3] =	stream.linear.scatter [tilespmem:s11], [sflag:$0x3], $0x200, $0x38;
	[tilespmem:$0x10600] =	vst v63  }
0x3c: {  	_ =	swait.ge [sflag:s4], $0x200  }
0x3d: {  	s28 =	sadd.s32 $0xFFFFFFFF, s28;
	[sflag:s4] =	ssyncset.done $0x0  }
.LBB2_1:
0x3e: {  	p0 =	sne.s32 s28, $0x1;
	s28 =	sadd.s32 $0xFFFFFFFF, s28;
	[sflag:s4] =	ssyncadd.s32 $0xFFFFFE00  }
0x3f: {  	[tilespmem:s3], [sflag:$0x3] =	stream.linear.gather [hbm4b:s5+s3], $0x200, $0x38;
	[tilespmem:$0x10600] =	vst v63  }
0x40: {  	_ =	swait.ge [sflag:s4], $0x200  }
0x41: {  	[sflag:s4] =	ssyncset.done $0x0  }
0x42: {  	[sflag:s4] =	ssyncadd.s32 $0xFFFFFE00  }
0x43: {  	[tilespmem:s7], [sflag:$0x3] =	stream.linear.gather [hbm4b:s6+s3], $0x200, $0x38;
	[tilespmem:$0x10600] =	vst v63  }
0x44: {  	_ =	swait.ge [sflag:s4], $0x200  }
0x45: {  	[sflag:s4] =	ssyncset.done $0x0  }
0x46: {  	[sflag:s4] =	ssyncadd.s32 $0xFFFFFE00  }
0x47: {  	[tilespmem:s10], [sflag:$0x1] =	stream.indirect.gather [hbm4b:s8+s9], $0x80, s3, s9, $0xb8;
	[tilespmem:$0x10600] =	vst v63  }
0x48: {  	_ = 	snop  }
0x49: {  	[tilespmem:s11], [sflag:$0x2] =	stream.indirect.gather [hbm4b:s2+s9], $0x1, s7, s9, $0xb8;
	[tilespmem:$0x10600] =	vst v63  }
0x4a: {  	_ = 	snop  }
0x4b: {  	[tilespmem:s12], [sflag:$0x1] =	stream.indirect.gather [hbm4b:s8+s9], $0x80, s9, s9, $0xb8;
	[tilespmem:$0x10600] =	vst v63  }
0x4c: {  	_ = 	snop  }
0x4d: {  	[tilespmem:s14], [sflag:$0x2] =	stream.indirect.gather [hbm4b:s2+s9], $0x1, s13, s9, $0xb8;
	[tilespmem:$0x10600] =	vst v63  }
0x4e: {  	_ = 	snop  }
0x4f: {  	[tilespmem:s16], [sflag:$0x1] =	stream.indirect.gather [hbm4b:s8+s9], $0x80, s15, s9, $0xb8;
	[tilespmem:$0x10600] =	vst v63  }
0x50: {  	_ = 	snop  }
0x51: {  	[tilespmem:s18], [sflag:$0x2] =	stream.indirect.gather [hbm4b:s2+s9], $0x1, s17, s9, $0xb8;
	[tilespmem:$0x10600] =	vst v63  }
0x52: {  	_ = 	snop  }
0x53: {  	[tilespmem:s20], [sflag:$0x1] =	stream.indirect.gather [hbm4b:s8+s9], $0x80, s19, s9, $0xb8;
	[tilespmem:$0x10600] =	vst v63  }
0x54: {  	_ = 	snop  }
0x55: {  	[tilespmem:s22], [sflag:$0x2] =	stream.indirect.gather [hbm4b:s2+s9], $0x1, s21, s9, $0xb8;
	[tilespmem:$0x10600] =	vst v63  }
0x56: {  	_ =	swait.ge [sflag:s23], $0x4000  }
0x57: {  	[sflag:s23] =	ssyncset.done $0x0  }
0x58: {  	[sflag:s23] =	ssyncadd.s32 $0xFFFFC000  }
0x59: {  	_ =	swait.ge [sflag:s24], $0x80  }
0x5a: {  	[sflag:s24] =	ssyncset.done $0x0  }
0x5b: {  	[sflag:s24] =	ssyncadd.s32 $0xFFFFFF80  }
0x5c: {  	_ =	swait.ge [sflag:s23], $0x4000  }
0x5d: {  	[sflag:s23] =	ssyncset.done $0x0  }
0x5e: {  	[sflag:s23] =	ssyncadd.s32 $0xFFFFC000  }
0x5f: {  	_ =	swait.ge [sflag:s24], $0x80  }
0x60: {  	[sflag:s24] =	ssyncset.done $0x0  }
0x61: {  	[sflag:s24] =	ssyncadd.s32 $0xFFFFFF80  }
0x62: {  	_ =	swait.ge [sflag:s23], $0x4000  }
0x63: {  	[sflag:s23] =	ssyncset.done $0x0  }
0x64: {  	[sflag:s23] =	ssyncadd.s32 $0xFFFFC000  }
0x65: {  	_ =	swait.ge [sflag:s24], $0x80  }
0x66: {  	[sflag:s24] =	ssyncset.done $0x0  }
0x67: {  	[sflag:s24] =	ssyncadd.s32 $0xFFFFFF80  }
0x68: {  	_ =	swait.ge [sflag:s23], $0x4000  }
0x69: {  	[sflag:s23] =	ssyncset.done $0x0  }
0x6a: {  	[sflag:s23] =	ssyncadd.s32 $0xFFFFC000  }
0x6b: {  	_ =	swait.ge [sflag:s24], $0x80  }
0x6c: {  	[sflag:s24] =	ssyncset.done $0x0  }
0x6d: {  	[sflag:s24] =	ssyncadd.s32 $0xFFFFFF80  }
0x6e: {  	[hbm4b:s25+s3] =	stream.linear.scatter [tilespmem:s10], [sflag:$0x3], $0x10000, $0x38;
	[tilespmem:$0x10600] =	vst v63  }
0x6f: {  	_ =	swait.ge [sflag:s4], $0x10000  }
.Ltmp1:
0x70: {  	[sflag:s4] =	ssyncset.done $0x0;
	(pc) =	sbr.rel @p0 .LBB2_1-.Ltmp1, $4  }
0x71: {  	[sflag:s4] =	ssyncadd.s32 $0xFFFF0000  }
0x72: {  	[hbm4b:s26+s3] =	stream.linear.scatter [tilespmem:s11], [sflag:$0x3], $0x200, $0x38;
	[tilespmem:$0x10600] =	vst v63  }
0x73: {  	_ =	swait.ge [sflag:s4], $0x200  }
0x74: {  	[sflag:s4] =	ssyncset.done $0x0  }
.LBB2_2:
0x75: {  	[sflag:s4] =	ssyncadd.s32 $0xFFFFFE00  }
0x76: {  	_ =	sfence.sel $0x180000  }
0x77: {  	[bflag:$0x0] =	sbarrier.arrive $0xFFFF  }
0x78: {  	p0 =	sne.s32 s0, $0x0;
	_ =	strace $0x90000047  }
0x79: {  	s0 =	sadd.s32 @!p0 $0x100000, s1;
	[bflag:$0x2] =	sbarrier.arrive $0xFFFF  }
0x7a: {  	[sflag:s0] =	ssyncadd.tile.s32 @!p0 $0x1;
	_ =	shalt  }
.Lfunc_end2:
_tile_overlayer_lowered:
.L_overlay_start_2:
0x7b: {  	(tag) =	ssettag $0x2  }
0x7c: {  	s0 =	rddreg [dreg:$0x0];
	s2 =	stileid.u32  }
0x7d: {  	s1 =	rddreg [dreg:$0x1];
	p0 =	sne.s32 s2, $0x0  }
0x7e: {  	s3 =	rddreg [dreg:$0x2];
	[bflag:$0x3] =	sbarrier.arrive $0xFFFF;
	s2 =	simm.s32 @!p0 $0x1C03  }
0x7f: {  	[timem:s3], [sflag:s2] =	dma.local @!p0 [hbm:s0], s1  }
0x80: {  	s0 =	simm.s32 @!p0 $0x3  }
0x81: {  	_ =	swait.ge @!p0 [sflag:s0], s1  }
0x82: {  	s1 =	ssub.s32 @!p0 $0x0, s1;
	[sflag:s0] =	ssyncset.done @!p0 $0x0  }
0x83: {  	[sflag:s0] =	ssyncadd.s32 @!p0 s1  }
0x84: {  	[bflag:$0x3] =	sbarrier.arrive $0xFFFF  }
0x85: {  	_ =	shalt  }

</sc_bundles>
